<compile_context>
chip_gen: v7x
topology: tpu7x:2x2x1
jax: 0.10.2.dev20260603
libtpu: 0.0.44.dev20260713+nightly
codegen_flags: <defaults>
</compile_context>

<pallas_src>
import functools

import jax
import jax.numpy as jnp
from jax import lax
from jax.experimental import pallas as pl
from jax.experimental.pallas import tpu as pltpu
from jax.experimental.pallas import tpu_sc as plsc


def _make_kernel(batch, seq_len, dim, dtype):
    info = plsc.get_sparse_core_info()
    nc, ns = info.num_cores, info.num_subcores
    nw = nc * ns
    assert seq_len % nw == 0
    rows_per_w = seq_len // nw
    chunk = min(rows_per_w, 64)
    assert rows_per_w % chunk == 0
    n_chunks = rows_per_w // chunk

    mesh = plsc.VectorSubcoreMesh(core_axis_name="c", subcore_axis_name="s")

    @functools.partial(
        pl.kernel,
        mesh=mesh,
        out_type=jax.ShapeDtypeStruct((batch, seq_len, dim), dtype),
        scratch_types=[
            pltpu.VMEM((chunk, dim), dtype),
            pltpu.SemaphoreType.DMA,
            pltpu.SemaphoreType.DMA,
        ],
    )
    def emb_broadcast(emb_hbm, out_hbm, buf, read_sem, write_sem):
        wid = lax.axis_index("s") * nc + lax.axis_index("c")
        base = wid * rows_per_w

        def body(i, carry):
            row0 = base + i * chunk
            pltpu.async_copy(emb_hbm.at[pl.ds(row0, chunk)], buf, read_sem).wait()
            copies = [
                pltpu.async_copy(buf, out_hbm.at[b, pl.ds(row0, chunk)], write_sem)
                for b in range(batch)
            ]
            for c in copies:
                c.wait()
            return carry

        lax.fori_loop(0, n_chunks, body, 0)

    return emb_broadcast


def kernel(x, emb):
    batch, seq_len, _ = x.shape
    f = _make_kernel(batch, seq_len, emb.shape[1], emb.dtype)
    return f(emb)

# --- scband reference (transcript-rebuilt; emitter-appended) ---
"""Pipeline reference for scband-absolute-positional-embedding-31370441130032 (READ-ONLY COPY).

The authoritative reference and input builder live on the scoring server;
editing this copy changes nothing except your own understanding.
"""

import jax, jax.numpy as jnp
import numpy as np

DIM = 1024
MAX_SEQ_LEN = 8192
BATCH = 4
SEQ_LEN = 8192

def setup_inputs(seed: int = 0) -> dict:
    key = jax.random.key(seed)
    k1, k2 = jax.random.split(key)
    x = jax.random.normal(k1, (BATCH, SEQ_LEN, DIM), dtype=jnp.float32)
    emb = jax.random.normal(k2, (MAX_SEQ_LEN, DIM), dtype=jnp.float32) * 0.02
    return {"x": x, "emb": emb}

def reference(x, emb):
    batch_size, seq_len, _ = x.shape
    positions = jnp.arange(seq_len)
    pos_emb = jnp.take(emb, positions, axis=0)
    pos_emb = jnp.broadcast_to(pos_emb[None, :, :], (batch_size, seq_len, pos_emb.shape[-1]))
    return pos_emb

if __name__ == "__main__":
    import jax
    _d = setup_inputs()
    print(jax.jit(kernel)(*tuple(_d.values())))

</pallas_src>

<mosaic_0001>
#map = affine_map<(d0, d1) -> (0, 0)>
#map1 = affine_map<(d0, d1) -> (0, 0, 0)>
module attributes {stable_mosaic.version = 14 : i64} {
  func.func @emb_broadcast(%arg0: i32, %arg1: i32, %arg2: memref<8192x1024xf32, #tpu.memory_space<hbm>>, %arg3: memref<4x8192x1024xf32, #tpu.memory_space<hbm>>, %arg4: memref<64x1024xf32, #tpu.memory_space<vmem>>, %arg5: memref<!tpu.dma_semaphore, #tpu.memory_space<semaphore_mem>>, %arg6: memref<!tpu.dma_semaphore, #tpu.memory_space<semaphore_mem>>) attributes {dimension_semantics = [#tpu.dimension_semantics<core_parallel>, #tpu.dimension_semantics<subcore_parallel>], iteration_bounds = array<i64: 2, 16>, scalar_prefetch = 0 : i64, scratch_operands = 3 : i64, tpu.core_type = #tpu.core_type<sc_vector_subcore>, window_params = [{transform_indices = #map}, {transform_indices = #map1}]} {
    %mul3A = arith.constant 2 : i32
    %mul3A_0 = arith.muli %arg1, %mul3A : i32
    %add3A = arith.addi %mul3A_0, %arg0 : i32
    %mul3A_1 = arith.constant 256 : i32
    %mul3A_2 = arith.muli %add3A, %mul3A_1 : i32
    %scan3A = arith.constant 0 : i32
    %scan3A_3 = arith.constant 0 : i32
    %scan3A_4 = arith.constant 4 : i32
    %scan3A_5 = arith.addi %scan3A_3, %scan3A_4 : i32
    %scan3A_6 = arith.constant 1 : i32
    scf.for %scan3A_8 = %scan3A_3 to %scan3A_5 step %scan3A_6  : i32 {
      %mul3A_9 = arith.constant 64 : i32
      %mul3A_10 = arith.muli %scan3A_8, %mul3A_9 : i32
      %add3A_11 = arith.addi %mul3A_2, %mul3A_10 : i32
      %dma_start3A = arith.constant 0 : i32
      %dma_start3A_12 = tpu.memref_slice %arg2[%add3A_11, %dma_start3A] : memref<8192x1024xf32, #tpu.memory_space<hbm>> -> memref<64x1024xf32, #tpu.memory_space<hbm>>
      %dma_start3A_13 = arith.constant 0 : i32
      %dma_start3A_14 = tpu.memref_slice %arg2[%add3A_11, %dma_start3A_13] : memref<8192x1024xf32, #tpu.memory_space<hbm>> -> memref<64x1024xf32, #tpu.memory_space<hbm>>
      tpu.enqueue_dma source(%dma_start3A_14 : memref<64x1024xf32, #tpu.memory_space<hbm>>) target(%arg4 : memref<64x1024xf32, #tpu.memory_space<vmem>>) target_semaphore(%arg5 : memref<!tpu.dma_semaphore, #tpu.memory_space<semaphore_mem>>)
      %dma_wait3A = arith.constant 0 : i32
      %dma_wait3A_15 = tpu.memref_slice %arg2[%add3A_11, %dma_wait3A] : memref<8192x1024xf32, #tpu.memory_space<hbm>> -> memref<64x1024xf32, #tpu.memory_space<hbm>>
      %dma_wait3A_16 = arith.constant 0 : i32
      %dma_wait3A_17 = tpu.memref_slice %arg2[%add3A_11, %dma_wait3A_16] : memref<8192x1024xf32, #tpu.memory_space<hbm>> -> memref<64x1024xf32, #tpu.memory_space<hbm>>
      tpu.wait_dma2 semaphore(%arg5 : memref<!tpu.dma_semaphore, #tpu.memory_space<semaphore_mem>>) src(%dma_wait3A_17 : memref<64x1024xf32, #tpu.memory_space<hbm>>) dst(%arg4 : memref<64x1024xf32, #tpu.memory_space<vmem>>)
      %dma_start3A_18 = arith.constant 0 : i32
      %dma_start3A_19 = arith.constant 0 : i32
      %dma_start3A_20 = tpu.memref_slice %arg3[%dma_start3A_18, %add3A_11, %dma_start3A_19] : memref<4x8192x1024xf32, #tpu.memory_space<hbm>> -> memref<1x64x1024xf32, #tpu.memory_space<hbm>>
      %dma_start3A_21 = tpu.memref_squeeze %dma_start3A_20 : memref<1x64x1024xf32, #tpu.memory_space<hbm>> -> memref<64x1024xf32, #tpu.memory_space<hbm>>
      %dma_start3A_22 = arith.constant 0 : i32
      %dma_start3A_23 = tpu.memref_slice %arg3[%dma_start3A_18, %add3A_11, %dma_start3A_22] : memref<4x8192x1024xf32, #tpu.memory_space<hbm>> -> memref<1x64x1024xf32, #tpu.memory_space<hbm>>
      %dma_start3A_24 = tpu.memref_squeeze %dma_start3A_23 : memref<1x64x1024xf32, #tpu.memory_space<hbm>> -> memref<64x1024xf32, #tpu.memory_space<hbm>>
      tpu.enqueue_dma source(%arg4 : memref<64x1024xf32, #tpu.memory_space<vmem>>) target(%dma_start3A_24 : memref<64x1024xf32, #tpu.memory_space<hbm>>) target_semaphore(%arg6 : memref<!tpu.dma_semaphore, #tpu.memory_space<semaphore_mem>>)
      %dma_start3A_25 = arith.constant 1 : i32
      %dma_start3A_26 = arith.constant 0 : i32
      %dma_start3A_27 = tpu.memref_slice %arg3[%dma_start3A_25, %add3A_11, %dma_start3A_26] : memref<4x8192x1024xf32, #tpu.memory_space<hbm>> -> memref<1x64x1024xf32, #tpu.memory_space<hbm>>
      %dma_start3A_28 = tpu.memref_squeeze %dma_start3A_27 : memref<1x64x1024xf32, #tpu.memory_space<hbm>> -> memref<64x1024xf32, #tpu.memory_space<hbm>>
      %dma_start3A_29 = arith.constant 0 : i32
      %dma_start3A_30 = tpu.memref_slice %arg3[%dma_start3A_25, %add3A_11, %dma_start3A_29] : memref<4x8192x1024xf32, #tpu.memory_space<hbm>> -> memref<1x64x1024xf32, #tpu.memory_space<hbm>>
      %dma_start3A_31 = tpu.memref_squeeze %dma_start3A_30 : memref<1x64x1024xf32, #tpu.memory_space<hbm>> -> memref<64x1024xf32, #tpu.memory_space<hbm>>
      tpu.enqueue_dma source(%arg4 : memref<64x1024xf32, #tpu.memory_space<vmem>>) target(%dma_start3A_31 : memref<64x1024xf32, #tpu.memory_space<hbm>>) target_semaphore(%arg6 : memref<!tpu.dma_semaphore, #tpu.memory_space<semaphore_mem>>)
      %dma_start3A_32 = arith.constant 2 : i32
      %dma_start3A_33 = arith.constant 0 : i32
      %dma_start3A_34 = tpu.memref_slice %arg3[%dma_start3A_32, %add3A_11, %dma_start3A_33] : memref<4x8192x1024xf32, #tpu.memory_space<hbm>> -> memref<1x64x1024xf32, #tpu.memory_space<hbm>>
      %dma_start3A_35 = tpu.memref_squeeze %dma_start3A_34 : memref<1x64x1024xf32, #tpu.memory_space<hbm>> -> memref<64x1024xf32, #tpu.memory_space<hbm>>
      %dma_start3A_36 = arith.constant 0 : i32
      %dma_start3A_37 = tpu.memref_slice %arg3[%dma_start3A_32, %add3A_11, %dma_start3A_36] : memref<4x8192x1024xf32, #tpu.memory_space<hbm>> -> memref<1x64x1024xf32, #tpu.memory_space<hbm>>
      %dma_start3A_38 = tpu.memref_squeeze %dma_start3A_37 : memref<1x64x1024xf32, #tpu.memory_space<hbm>> -> memref<64x1024xf32, #tpu.memory_space<hbm>>
      tpu.enqueue_dma source(%arg4 : memref<64x1024xf32, #tpu.memory_space<vmem>>) target(%dma_start3A_38 : memref<64x1024xf32, #tpu.memory_space<hbm>>) target_semaphore(%arg6 : memref<!tpu.dma_semaphore, #tpu.memory_space<semaphore_mem>>)
      %dma_start3A_39 = arith.constant 3 : i32
      %dma_start3A_40 = arith.constant 0 : i32
      %dma_start3A_41 = tpu.memref_slice %arg3[%dma_start3A_39, %add3A_11, %dma_start3A_40] : memref<4x8192x1024xf32, #tpu.memory_space<hbm>> -> memref<1x64x1024xf32, #tpu.memory_space<hbm>>
      %dma_start3A_42 = tpu.memref_squeeze %dma_start3A_41 : memref<1x64x1024xf32, #tpu.memory_space<hbm>> -> memref<64x1024xf32, #tpu.memory_space<hbm>>
      %dma_start3A_43 = arith.constant 0 : i32
      %dma_start3A_44 = tpu.memref_slice %arg3[%dma_start3A_39, %add3A_11, %dma_start3A_43] : memref<4x8192x1024xf32, #tpu.memory_space<hbm>> -> memref<1x64x1024xf32, #tpu.memory_space<hbm>>
      %dma_start3A_45 = tpu.memref_squeeze %dma_start3A_44 : memref<1x64x1024xf32, #tpu.memory_space<hbm>> -> memref<64x1024xf32, #tpu.memory_space<hbm>>
      tpu.enqueue_dma source(%arg4 : memref<64x1024xf32, #tpu.memory_space<vmem>>) target(%dma_start3A_45 : memref<64x1024xf32, #tpu.memory_space<hbm>>) target_semaphore(%arg6 : memref<!tpu.dma_semaphore, #tpu.memory_space<semaphore_mem>>)
      %dma_wait3A_46 = arith.constant 0 : i32
      %dma_wait3A_47 = arith.constant 0 : i32
      %dma_wait3A_48 = tpu.memref_slice %arg3[%dma_wait3A_46, %add3A_11, %dma_wait3A_47] : memref<4x8192x1024xf32, #tpu.memory_space<hbm>> -> memref<1x64x1024xf32, #tpu.memory_space<hbm>>
      %dma_wait3A_49 = tpu.memref_squeeze %dma_wait3A_48 : memref<1x64x1024xf32, #tpu.memory_space<hbm>> -> memref<64x1024xf32, #tpu.memory_space<hbm>>
      %dma_wait3A_50 = arith.constant 0 : i32
      %dma_wait3A_51 = tpu.memref_slice %arg3[%dma_wait3A_46, %add3A_11, %dma_wait3A_50] : memref<4x8192x1024xf32, #tpu.memory_space<hbm>> -> memref<1x64x1024xf32, #tpu.memory_space<hbm>>
      %dma_wait3A_52 = tpu.memref_squeeze %dma_wait3A_51 : memref<1x64x1024xf32, #tpu.memory_space<hbm>> -> memref<64x1024xf32, #tpu.memory_space<hbm>>
      tpu.wait_dma2 semaphore(%arg6 : memref<!tpu.dma_semaphore, #tpu.memory_space<semaphore_mem>>) src(%arg4 : memref<64x1024xf32, #tpu.memory_space<vmem>>) dst(%dma_wait3A_52 : memref<64x1024xf32, #tpu.memory_space<hbm>>)
      %dma_wait3A_53 = arith.constant 1 : i32
      %dma_wait3A_54 = arith.constant 0 : i32
      %dma_wait3A_55 = tpu.memref_slice %arg3[%dma_wait3A_53, %add3A_11, %dma_wait3A_54] : memref<4x8192x1024xf32, #tpu.memory_space<hbm>> -> memref<1x64x1024xf32, #tpu.memory_space<hbm>>
      %dma_wait3A_56 = tpu.memref_squeeze %dma_wait3A_55 : memref<1x64x1024xf32, #tpu.memory_space<hbm>> -> memref<64x1024xf32, #tpu.memory_space<hbm>>
      %dma_wait3A_57 = arith.constant 0 : i32
      %dma_wait3A_58 = tpu.memref_slice %arg3[%dma_wait3A_53, %add3A_11, %dma_wait3A_57] : memref<4x8192x1024xf32, #tpu.memory_space<hbm>> -> memref<1x64x1024xf32, #tpu.memory_space<hbm>>
      %dma_wait3A_59 = tpu.memref_squeeze %dma_wait3A_58 : memref<1x64x1024xf32, #tpu.memory_space<hbm>> -> memref<64x1024xf32, #tpu.memory_space<hbm>>
      tpu.wait_dma2 semaphore(%arg6 : memref<!tpu.dma_semaphore, #tpu.memory_space<semaphore_mem>>) src(%arg4 : memref<64x1024xf32, #tpu.memory_space<vmem>>) dst(%dma_wait3A_59 : memref<64x1024xf32, #tpu.memory_space<hbm>>)
      %dma_wait3A_60 = arith.constant 2 : i32
      %dma_wait3A_61 = arith.constant 0 : i32
      %dma_wait3A_62 = tpu.memref_slice %arg3[%dma_wait3A_60, %add3A_11, %dma_wait3A_61] : memref<4x8192x1024xf32, #tpu.memory_space<hbm>> -> memref<1x64x1024xf32, #tpu.memory_space<hbm>>
      %dma_wait3A_63 = tpu.memref_squeeze %dma_wait3A_62 : memref<1x64x1024xf32, #tpu.memory_space<hbm>> -> memref<64x1024xf32, #tpu.memory_space<hbm>>
      %dma_wait3A_64 = arith.constant 0 : i32
      %dma_wait3A_65 = tpu.memref_slice %arg3[%dma_wait3A_60, %add3A_11, %dma_wait3A_64] : memref<4x8192x1024xf32, #tpu.memory_space<hbm>> -> memref<1x64x1024xf32, #tpu.memory_space<hbm>>
      %dma_wait3A_66 = tpu.memref_squeeze %dma_wait3A_65 : memref<1x64x1024xf32, #tpu.memory_space<hbm>> -> memref<64x1024xf32, #tpu.memory_space<hbm>>
      tpu.wait_dma2 semaphore(%arg6 : memref<!tpu.dma_semaphore, #tpu.memory_space<semaphore_mem>>) src(%arg4 : memref<64x1024xf32, #tpu.memory_space<vmem>>) dst(%dma_wait3A_66 : memref<64x1024xf32, #tpu.memory_space<hbm>>)
      %dma_wait3A_67 = arith.constant 3 : i32
      %dma_wait3A_68 = arith.constant 0 : i32
      %dma_wait3A_69 = tpu.memref_slice %arg3[%dma_wait3A_67, %add3A_11, %dma_wait3A_68] : memref<4x8192x1024xf32, #tpu.memory_space<hbm>> -> memref<1x64x1024xf32, #tpu.memory_space<hbm>>
      %dma_wait3A_70 = tpu.memref_squeeze %dma_wait3A_69 : memref<1x64x1024xf32, #tpu.memory_space<hbm>> -> memref<64x1024xf32, #tpu.memory_space<hbm>>
      %dma_wait3A_71 = arith.constant 0 : i32
      %dma_wait3A_72 = tpu.memref_slice %arg3[%dma_wait3A_67, %add3A_11, %dma_wait3A_71] : memref<4x8192x1024xf32, #tpu.memory_space<hbm>> -> memref<1x64x1024xf32, #tpu.memory_space<hbm>>
      %dma_wait3A_73 = tpu.memref_squeeze %dma_wait3A_72 : memref<1x64x1024xf32, #tpu.memory_space<hbm>> -> memref<64x1024xf32, #tpu.memory_space<hbm>>
      tpu.wait_dma2 semaphore(%arg6 : memref<!tpu.dma_semaphore, #tpu.memory_space<semaphore_mem>>) src(%arg4 : memref<64x1024xf32, #tpu.memory_space<vmem>>) dst(%dma_wait3A_73 : memref<64x1024xf32, #tpu.memory_space<hbm>>)
    }
    %scan3A_7 = arith.constant 4 : i32
    return
  }
}

</mosaic_0001>

<sc_bundles>
// kernel: kernel.3.cloned.1.call-start
scs
__scs_entry_jumppad:
0x0: {  	(pc) =	sbr.rel $0x88, $3  }
0x1: {  	(tag) =	ssettag $0x0;
	lr =	simm.s32 $0x1  }
0x2: {  	[smem:$0x3FA0] =	sst lr;
	_ =	strace $0xD0000000  }
0x3: {  	_ = 	snop  }
0x4: {  	_ = 	snop  }
0x5: {  	_ = 	snop  }
0x6: {  	_ = 	snop  }
0x7: {  	_ = 	snop  }
__scs_overlays_trampoline_lowered:
0x8: {  	[smem:$0x3FAF] =	sst s0  }
0x9: {  	[smem:$0x3FB0] =	sst s1  }
0xa: {  	[smem:$0x3FB1] =	sst s2  }
0xb: {  	[smem:$0x3FB2] =	sst s3  }
0xc: {  	[smem:$0x3FB3] =	sst s4  }
0xd: {  	[smem:$0x3FB4] =	sst s5  }
0xe: {  	[smem:$0x3FB5] =	sst s6  }
0xf: {  	[smem:$0x3FB6] =	sst s7  }
0x10: {  	[smem:$0x3FB7] =	sst s8  }
0x11: {  	[smem:$0x3FB8] =	sst s9;
	s0 =	simm.s32 @!p0 $0x0  }
0x12: {  	s1 =	sld [smem:$0x3F9E];
	s0 =	simm.s32 @p0 $0x1  }
0x13: {  	[smem:$0x3FB9] =	sst s0;
	s0 =	simm.s32 @!p1 $0x0  }
0x14: {  	s2 =	sld [smem:$0x3F9D];
	s0 =	simm.s32 @p1 $0x1  }
0x15: {  	[smem:$0x3FBA] =	sst s0;
	s0 =	simm.s32 @!p2 $0x0  }
0x16: {  	s3 =	sld [smem:$0x3FDB];
	s0 =	simm.s32 @p2 $0x1  }
0x17: {  	s4 =	simm.s32 $0x1BF5;
	[smem:$0x3FBC] =	sst s0  }
0x18: {  	s0 =	sld [smem:$0x3F9F];
	_ =	swait.ge [sflag:s4], $0x0  }
0x19: {  	s7 =	sld [smem:$0x3FA0]  }
0x1a: {  	s8 =	sadd.s32 $0xFFFFE003, lr  }
0x1b: {  	s9 =	sadd.s32 $0xFFFFFEF7, lr;
	s5 =	simm.s32 $0xFFFFFFFF;
	p2 =	slt.u32 s8, $0xFFFFF086  }
0x1c: {  	p1 =	slt.u32 s9, $0xF7A;
	s5 =	simm.s32 @!p2 $0x0  }
0x1d: {  	s5 =	simm.s32 @p1 $0x1;
	p0 =	seq.s32 s7, s2  }
0x1e: {  	s7 =	smul.u32 @!p0 $0xF7A, s2;
	p2 =	seq.s32 @!p0 s5, $0x0  }
0x1f: {  	s9 =	smul.u32 $0xF7A, s1;
	s8 =	simm.s32 @!p0 $0x1BF5;
	p2 =	por !p2, p0  }
0x20: {  	[sflag:s8] =	ssyncset.s32 @!p0 $0xFFFFF086;
	s6 =	sadd.s32 @!p0 s3, s7;
	s7 =	simm.s32 @!p0 $0x108  }
0x21: {  	s3 =	sadd.s32 s3, s9;
	s6 =	sadd.s32 @!p0 $0x88, s6;
	s7 =	simm.s32 @p2 $0x1082  }
0x22: {  	[simem:s7], [sflag:s8] =	dma.local @!p0 [hbm:s6], $0xF7A  }
0x23: {  	s9 =	sor.u32 $0xD0000000, s2;
	s6 =	simm.s32 $0x108;
	_ =	swait.ge @!p0 [sflag:s8], $0x0  }
0x24: {  	s3 =	sadd.s32 $0x88, s3;
	s6 =	simm.s32 @!p1 $0x1082;
	[sflag:s4] =	ssyncset.s32 $0xFFFFF086  }
0x25: {  	[simem:s6], [sflag:s4] =	dma.local [hbm:s3], $0xF7A  }
0x26: {  	[smem:$0x3FA0] =	sst s1;
	(tag) =	ssettag s2;
	_ =	strace s9  }
0x27: {  	s1 =	sld [smem:$0x3FB0]  }
0x28: {  	s2 =	sld [smem:$0x3FB1]  }
0x29: {  	s4 =	sld [smem:$0x3FB3]  }
0x2a: {  	p0 =	seq.s32 s5, $0x0;
	s5 =	sld [smem:$0x3FB4]  }
0x2b: {  	s6 =	sld [smem:$0x3FB5]  }
0x2c: {  	s7 =	sld [smem:$0x3FB6]  }
0x2d: {  	s3 =	simm.s32 $0x108;
	s8 =	sld [smem:$0x3FB7]  }
0x2e: {  	s3 =	simm.s32 @!p0 $0x1082;
	s9 =	sld [smem:$0x3FB8]  }
0x2f: {  	lr =	sadd.s32 s0, s3;
	s0 =	sld [smem:$0x3FAF]  }
0x30: {  	s3 =	sld [smem:$0x3FB2]  }
0x31: {  	[smem:$0x3FBB] =	sst s10  }
0x32: {  	s10 =	sld [smem:$0x3FB9];
	_ =	sdelay $0x3  }
0x33: {  	p0 =	seq.s32 s10, $0x1;
	s10 =	sld [smem:$0x3FBB];
	_ =	sdelay $0x3  }
0x34: {  	[smem:$0x3FBB] =	sst s10  }
0x35: {  	s10 =	sld [smem:$0x3FBA];
	_ =	sdelay $0x3  }
0x36: {  	p1 =	seq.s32 s10, $0x1;
	s10 =	sld [smem:$0x3FBB];
	_ =	sdelay $0x3  }
0x37: {  	[smem:$0x3FBB] =	sst s10  }
0x38: {  	s10 =	sld [smem:$0x3FBC]  }
0x39: {  	_ = 	snop;
	(pc) =	sbr.ind lr, $3  }
0x3a: {  	_ = 	snop  }
0x3b: {  	_ = 	snop  }
0x3c: {  	p2 =	seq.s32 s10, $0x1;
	s10 =	sld [smem:$0x3FBB]  }
0x3d: {  	_ =	shalt  }
0x3e: {  	_ =	shalt  }
0x3f: {  	_ =	shalt  }
0x40: {  	_ =	shalt  }
0x41: {  	_ =	shalt  }
0x42: {  	_ =	shalt  }
0x43: {  	_ =	shalt  }
0x44: {  	_ =	shalt  }
0x45: {  	_ =	shalt  }
0x46: {  	_ =	shalt  }
0x47: {  	_ =	shalt  }
0x48: {  	_ =	shalt  }
0x49: {  	_ =	shalt  }
0x4a: {  	_ =	shalt  }
0x4b: {  	_ =	shalt  }
0x4c: {  	_ =	shalt  }
0x4d: {  	_ =	shalt  }
0x4e: {  	_ =	shalt  }
0x4f: {  	_ =	shalt  }
0x50: {  	_ =	shalt  }
0x51: {  	_ =	shalt  }
0x52: {  	_ =	shalt  }
0x53: {  	_ =	shalt  }
0x54: {  	_ =	shalt  }
0x55: {  	_ =	shalt  }
0x56: {  	_ =	shalt  }
0x57: {  	_ =	shalt  }
0x58: {  	_ =	shalt  }
0x59: {  	_ =	shalt  }
0x5a: {  	_ =	shalt  }
0x5b: {  	_ =	shalt  }
0x5c: {  	_ =	shalt  }
0x5d: {  	_ =	shalt  }
0x5e: {  	_ =	shalt  }
0x5f: {  	_ =	shalt  }
0x60: {  	_ =	shalt  }
0x61: {  	_ =	shalt  }
0x62: {  	_ =	shalt  }
0x63: {  	_ =	shalt  }
0x64: {  	_ =	shalt  }
0x65: {  	_ =	shalt  }
0x66: {  	_ =	shalt  }
0x67: {  	_ =	shalt  }
0x68: {  	_ =	shalt  }
0x69: {  	_ =	shalt  }
0x6a: {  	_ =	shalt  }
0x6b: {  	_ =	shalt  }
0x6c: {  	_ =	shalt  }
0x6d: {  	_ =	shalt  }
0x6e: {  	_ =	shalt  }
0x6f: {  	_ =	shalt  }
0x70: {  	_ =	shalt  }
0x71: {  	_ =	shalt  }
0x72: {  	_ =	shalt  }
0x73: {  	_ =	shalt  }
0x74: {  	_ =	shalt  }
0x75: {  	_ =	shalt  }
0x76: {  	_ =	shalt  }
0x77: {  	_ =	shalt  }
0x78: {  	_ =	shalt  }
0x79: {  	_ =	shalt  }
0x7a: {  	_ =	shalt  }
0x7b: {  	_ =	shalt  }
0x7c: {  	_ =	shalt  }
0x7d: {  	_ =	shalt  }
0x7e: {  	_ =	shalt  }
0x7f: {  	_ =	shalt  }
0x80: {  	_ =	shalt  }
0x81: {  	_ =	shalt  }
0x82: {  	_ =	shalt  }
0x83: {  	_ =	shalt  }
0x84: {  	_ =	shalt  }
0x85: {  	_ =	shalt  }
0x86: {  	_ =	shalt  }
0x87: {  	_ =	shalt  }
.Lfunc_end0:
.L_simem_size_0:
called_computation_lowered:
.L_overlay_start_0:
0x88: {  	s2 =	sld [smem:$0x3FD9]  }
0x89: {  	s3 =	sld [smem:$0x3FFE];
	_ =	sdelay $0x1  }
0x8a: {  	s1 =	srdreg.scid  }
0x8b: {  	s0 =	sand.u32 $0x1, s1  }
0x8c: {  	s18 =	sshll.u32 s0, $0xA;
	s2 =	sadd.s32 s3, s2  }
0x8d: {  	s2 =	sadd.s32 s2, s18  }
0x8e: {  	[smem:$0x3FC7] =	sst s2  }
0x8f: {  	_ = 	snop  }
0x90: {  	s2 =	sld [smem:$0x3FC9]  }
0x91: {  	s19 =	sld [smem:$0x3FD0];
	(tm) =	ssettm $0x1  }
0x92: {  	s4 =	sld [smem:$0x3FFB];
	_ =	sdelay $0x3  }
0x93: {  	_ =	strace s4  }
0x94: {  	s4 =	sld [smem:$0x3FFC];
	_ =	sdelay $0x3  }
0x95: {  	_ =	strace s4  }
0x96: {  	s4 =	sld [smem:$0x3FFD];
	_ =	sdelay $0x3  }
0x97: {  	_ =	strace s4  }
0x98: {  	_ =	strace $0x8FFFFFFF  }
0x99: {  	s20 =	sld [smem:$0x3FDB];
	_ =	sdelay $0x1  }
0x9a: {  	s5 =	simm.s32 $_scs_section_size  }
0x9b: {  	s6 =	simm.s32 $_size__tile_overlayer_lowered;
	s7 =	simm.s32 $_tile_overlayer_lowered  }
0x9c: {  	s23 =	simm.s32 $0x1BFF;
	s22 =	sshll.u32 s7, $0x1;
	s4 =	sadd.s32 s5, s20  }
0x9d: {  	s8 =	simm.s32 $0x0;
	s21 =	sshll.u32 s6, $0x1;
	s6 =	sadd.s32 s22, s4  }
0x9e: {  	[timem:s8], [sflag:s23] =	dma.local [hbm:s6], s21  }
0x9f: {  	_ =	swait.ge [sflag:s23], s21  }
0xa0: {  	s5 =	ssub.s32 $0x0, s21;
	[sflag:s23] =	ssyncset.done $0x0  }
0xa1: {  	[sflag:s23] =	ssyncadd.s32 s5;
	_ =	sdelay $0x1  }
0xa2: {  	s24 =	simm.s32 $0x1B8B  }
0xa3: {  	_ =	swait.ge [sflag:s24], $0x1  }
0xa4: {  	[sflag:s24] =	ssyncset.done $0x0  }
0xa5: {  	s25 =	simm.s32 $0x1B8E;
	[sflag:s24] =	ssyncadd.s32 $0xFFFFFFFF  }
0xa6: {  	s26 =	simm.s32 $execute0_lowered;
	[smem:$0x3FD2] =	sst s25  }
0xa7: {  	s5 =	sshll.u32 s26, $0x1;
	_ =	strace $0x80000046;
	[dreg:$0x1] =	wrdreg $0xFFFFFFFF  }
0xa8: {  	s28 =	simm.s32 $_size_execute0_lowered;
	s4 =	sadd.s32 s4, s5;
	[dreg:$0x0] =	wrdreg $0x0  }
0xa9: {  	s5 =	sshll.u32 s28, $0x1;
	[dreg:$0x2] =	wrdreg s4  }
0xaa: {  	[dreg:$0x3] =	wrdreg s5  }
0xab: {  	[dreg:$0x4] =	wrdreg $0xC0  }
0xac: {  	_ =	task [dreg:s8], $0x5FFFF  }
0xad: {  	[dreg:$0x1] =	wrdreg $0xFFFFFFFF  }
0xae: {  	[dreg:$0x0] =	wrdreg $0x60  }
0xaf: {  	[dreg:$0x2] =	wrdreg s2  }
0xb0: {  	[dreg:$0x3] =	wrdreg s19  }
0xb1: {  	[dreg:$0x4] =	wrdreg $0x9  }
0xb2: {  	_ =	task.clear_ibuf [dreg:s8], $0x5FFFF;
	_ =	strace $0x90000046  }
0xb3: {  	s29 =	simm.s32 $0x9;
	_ =	strace $0x80000048  }
0xb4: {  	_ =	swait.ge [sflag:s29], $0x1  }
0xb5: {  	[sflag:s29] =	ssyncadd.s32 $0xFFFFFFFF  }
0xb6: {  	_ =	strace $0x90000048  }
0xb7: {  	_ =	sfence  }
0xb8: {  	s30 =	sld [smem:$0x0];
	_ =	sdelay $0x2  }
0xb9: {  	s31 =	sshll.u32 s1, $0xD;
	s1 =	sshrl.u32 s1, $0x2  }
0xba: {  	s3 =	sand.u32 $0x4000, s31;
	s1 =	sadd.s32 s1, s30  }
0xbb: {  	s0 =	sor.u32 s3, s0;
	s1 =	sshll.u32 s1, $0x11  }
0xbc: {  	s0 =	sor.u32 s1, s0  }
0xbd: {  	s0 =	sadd.s32 $0x8F2B, s0  }
0xbe: {  	[sflag:s0] =	ssyncadd.remote.s32 $0x1  }
0xbf: {  	_ =	sfence.sel $0xFFFF  }
0xc0: {  	[dreg:$0x0] =	wrdreg $0xFFFFFFFF;
	(pc) =	sbr.abs _section_cstart, $3  }
0xc1: {  	[dreg:$0x1] =	wrdreg $0xFFFFFFFF  }
0xc2: {  	_ =	task.clear_ibuf [dreg:s8], $0x2FFFF;
	_ =	strace $0x9FFFFFFF  }
0xc3: {  	(tm) =	ssettm $0x7FFFFFFF  }
tec
execute0_lowered:
.L_overlay_start_1:
0x0: {  	(tag) =	ssettag $0x1  }
0x1: {  	s20 =	rddreg [dreg:$0x0]  }
0x2: {  	s21 =	rddreg [dreg:$0x1];
	s2 =	srdreg.scid  }
0x3: {  	s0 =	rddreg [dreg:$0x2];
	s1 =	stileid.u32;
	s25 =	sand.u32 $0x1, s2  }
0x4: {  	s2 =	simm.s32 $0x0;
	s3 =	sshll.u32 s1, $0x10;
	s4 =	sshll.u32 s25, $0xF  }
0x5: {  	[smem:$0x7FF] =	sst s2;
	s24 =	sor.u32 s4, s3  }
0x6: {  	_ =	strace $0x80000047;
	s4 =	simm.s32 $0x1;
	s3 =	sadd.s32 s20, s24  }
0x7: {  	[tilespmem:s2], [sflag:$0x1] =	stream.linear.gather [hbm4b:s3+s2], $0x10000, $0x38;
	[tilespmem:$0x10000] =	vst v63  }
0x8: {  	_ =	swait.ge [sflag:s4], $0x10000  }
0x9: {  	[sflag:s4] =	ssyncset.done $0x0  }
0xa: {  	s22 =	sadd.s32 $0x100000, s21;
	s5 =	sadd.s32 s21, s24;
	[sflag:s4] =	ssyncadd.s32 $0xFFFF0000  }
0xb: {  	[hbm4b:s5+s2] =	stream.linear.scatter [tilespmem:s2], [sflag:$0x2], $0x10000, $0x38;
	[tilespmem:$0x10000] =	vst v63  }
0xc: {  	s23 =	sadd.s32 $0x200000, s21;
	s6 =	sadd.s32 s24, s22  }
0xd: {  	[hbm4b:s6+s2] =	stream.linear.scatter [tilespmem:s2], [sflag:$0x2], $0x10000, $0x38;
	[tilespmem:$0x10000] =	vst v63  }
0xe: {  	s26 =	sadd.s32 $0x300000, s21;
	s7 =	sadd.s32 s24, s23  }
0xf: {  	[hbm4b:s7+s2] =	stream.linear.scatter [tilespmem:s2], [sflag:$0x2], $0x10000, $0x38;
	[tilespmem:$0x10000] =	vst v63  }
0x10: {  	s8 =	simm.s32 $0x2;
	s9 =	sadd.s32 s24, s26  }
0x11: {  	[hbm4b:s9+s2] =	stream.linear.scatter [tilespmem:s2], [sflag:$0x2], $0x10000, $0x38;
	[tilespmem:$0x10000] =	vst v63  }
0x12: {  	_ =	swait.ge [sflag:s8], $0x10000  }
0x13: {  	[sflag:s8] =	ssyncset.done $0x0  }
0x14: {  	[sflag:s8] =	ssyncadd.s32 $0xFFFF0000  }
0x15: {  	_ =	swait.ge [sflag:s8], $0x10000  }
0x16: {  	[sflag:s8] =	ssyncset.done $0x0  }
0x17: {  	[sflag:s8] =	ssyncadd.s32 $0xFFFF0000  }
0x18: {  	_ =	swait.ge [sflag:s8], $0x10000  }
0x19: {  	[sflag:s8] =	ssyncset.done $0x0  }
0x1a: {  	[sflag:s8] =	ssyncadd.s32 $0xFFFF0000  }
0x1b: {  	_ =	swait.ge [sflag:s8], $0x10000  }
0x1c: {  	s14 =	sor.u32 $0x2000, s24;
	[sflag:s8] =	ssyncset.done $0x0  }
0x1d: {  	s10 =	sadd.s32 s20, s14;
	[sflag:s8] =	ssyncadd.s32 $0xFFFF0000  }
0x1e: {  	[tilespmem:s2], [sflag:$0x1] =	stream.linear.gather [hbm4b:s10+s2], $0x10000, $0x38;
	[tilespmem:$0x10000] =	vst v63  }
0x1f: {  	_ =	swait.ge [sflag:s4], $0x10000  }
0x20: {  	[sflag:s4] =	ssyncset.done $0x0  }
0x21: {  	s11 =	sadd.s32 s21, s14;
	[sflag:s4] =	ssyncadd.s32 $0xFFFF0000  }
0x22: {  	[hbm4b:s11+s2] =	stream.linear.scatter [tilespmem:s2], [sflag:$0x2], $0x10000, $0x38;
	[tilespmem:$0x10000] =	vst v63  }
0x23: {  	s12 =	sadd.s32 s14, s22  }
0x24: {  	[hbm4b:s12+s2] =	stream.linear.scatter [tilespmem:s2], [sflag:$0x2], $0x10000, $0x38;
	[tilespmem:$0x10000] =	vst v63  }
0x25: {  	s13 =	sadd.s32 s14, s23  }
0x26: {  	[hbm4b:s13+s2] =	stream.linear.scatter [tilespmem:s2], [sflag:$0x2], $0x10000, $0x38;
	[tilespmem:$0x10000] =	vst v63  }
0x27: {  	s14 =	sadd.s32 s14, s26  }
0x28: {  	[hbm4b:s14+s2] =	stream.linear.scatter [tilespmem:s2], [sflag:$0x2], $0x10000, $0x38;
	[tilespmem:$0x10000] =	vst v63  }
0x29: {  	_ =	swait.ge [sflag:s8], $0x10000  }
0x2a: {  	[sflag:s8] =	ssyncset.done $0x0  }
0x2b: {  	[sflag:s8] =	ssyncadd.s32 $0xFFFF0000  }
0x2c: {  	_ =	swait.ge [sflag:s8], $0x10000  }
0x2d: {  	[sflag:s8] =	ssyncset.done $0x0  }
0x2e: {  	[sflag:s8] =	ssyncadd.s32 $0xFFFF0000  }
0x2f: {  	_ =	swait.ge [sflag:s8], $0x10000  }
0x30: {  	[sflag:s8] =	ssyncset.done $0x0  }
0x31: {  	[sflag:s8] =	ssyncadd.s32 $0xFFFF0000  }
0x32: {  	_ =	swait.ge [sflag:s8], $0x10000  }
0x33: {  	s19 =	sor.u32 $0x4000, s24;
	[sflag:s8] =	ssyncset.done $0x0  }
0x34: {  	s15 =	sadd.s32 s20, s19;
	[sflag:s8] =	ssyncadd.s32 $0xFFFF0000  }
0x35: {  	[tilespmem:s2], [sflag:$0x1] =	stream.linear.gather [hbm4b:s15+s2], $0x10000, $0x38;
	[tilespmem:$0x10000] =	vst v63  }
0x36: {  	_ =	swait.ge [sflag:s4], $0x10000  }
0x37: {  	[sflag:s4] =	ssyncset.done $0x0  }
0x38: {  	s16 =	sadd.s32 s21, s19;
	[sflag:s4] =	ssyncadd.s32 $0xFFFF0000  }
0x39: {  	[hbm4b:s16+s2] =	stream.linear.scatter [tilespmem:s2], [sflag:$0x2], $0x10000, $0x38;
	[tilespmem:$0x10000] =	vst v63  }
0x3a: {  	s17 =	sadd.s32 s19, s22  }
0x3b: {  	[hbm4b:s17+s2] =	stream.linear.scatter [tilespmem:s2], [sflag:$0x2], $0x10000, $0x38;
	[tilespmem:$0x10000] =	vst v63  }
0x3c: {  	s18 =	sadd.s32 s19, s23  }
0x3d: {  	[hbm4b:s18+s2] =	stream.linear.scatter [tilespmem:s2], [sflag:$0x2], $0x10000, $0x38;
	[tilespmem:$0x10000] =	vst v63  }
0x3e: {  	s19 =	sadd.s32 s19, s26  }
0x3f: {  	[hbm4b:s19+s2] =	stream.linear.scatter [tilespmem:s2], [sflag:$0x2], $0x10000, $0x38;
	[tilespmem:$0x10000] =	vst v63  }
0x40: {  	_ =	swait.ge [sflag:s8], $0x10000  }
0x41: {  	[sflag:s8] =	ssyncset.done $0x0  }
0x42: {  	[sflag:s8] =	ssyncadd.s32 $0xFFFF0000  }
0x43: {  	_ =	swait.ge [sflag:s8], $0x10000  }
0x44: {  	[sflag:s8] =	ssyncset.done $0x0  }
0x45: {  	[sflag:s8] =	ssyncadd.s32 $0xFFFF0000  }
0x46: {  	_ =	swait.ge [sflag:s8], $0x10000  }
0x47: {  	[sflag:s8] =	ssyncset.done $0x0  }
0x48: {  	[sflag:s8] =	ssyncadd.s32 $0xFFFF0000  }
0x49: {  	_ =	swait.ge [sflag:s8], $0x10000  }
0x4a: {  	s24 =	sor.u32 $0x6000, s24;
	[sflag:s8] =	ssyncset.done $0x0  }
0x4b: {  	s20 =	sadd.s32 s20, s24;
	[sflag:s8] =	ssyncadd.s32 $0xFFFF0000  }
0x4c: {  	[tilespmem:s2], [sflag:$0x1] =	stream.linear.gather [hbm4b:s20+s2], $0x10000, $0x38;
	[tilespmem:$0x10000] =	vst v63  }
0x4d: {  	_ =	swait.ge [sflag:s4], $0x10000  }
0x4e: {  	[sflag:s4] =	ssyncset.done $0x0  }
0x4f: {  	s21 =	sadd.s32 s21, s24;
	[sflag:s4] =	ssyncadd.s32 $0xFFFF0000  }
0x50: {  	[hbm4b:s21+s2] =	stream.linear.scatter [tilespmem:s2], [sflag:$0x2], $0x10000, $0x38;
	[tilespmem:$0x10000] =	vst v63  }
0x51: {  	s22 =	sadd.s32 s24, s22  }
0x52: {  	[hbm4b:s22+s2] =	stream.linear.scatter [tilespmem:s2], [sflag:$0x2], $0x10000, $0x38;
	[tilespmem:$0x10000] =	vst v63  }
0x53: {  	s23 =	sadd.s32 s24, s23  }
0x54: {  	[hbm4b:s23+s2] =	stream.linear.scatter [tilespmem:s2], [sflag:$0x2], $0x10000, $0x38;
	[tilespmem:$0x10000] =	vst v63  }
0x55: {  	s24 =	sadd.s32 s24, s26  }
0x56: {  	[hbm4b:s24+s2] =	stream.linear.scatter [tilespmem:s2], [sflag:$0x2], $0x10000, $0x38;
	[tilespmem:$0x10000] =	vst v63  }
0x57: {  	_ =	swait.ge [sflag:s8], $0x10000  }
0x58: {  	s25 =	ssub.s32 $0x2, s25;
	[sflag:s8] =	ssyncset.done $0x0  }
0x59: {  	s31 =	sshrl.u32 s25, $0x1;
	[sflag:s8] =	ssyncadd.s32 $0xFFFF0000  }
0x5a: {  	s25 =	ssub.s32 s25, s31;
	_ =	swait.ge [sflag:s8], $0x10000  }
0x5b: {  	s25 =	smax.u32 s25, $0x1;
	[sflag:s8] =	ssyncset.done $0x0  }
0x5c: {  	p0 =	sne.s32 s25, $0x1;
	[sflag:s8] =	ssyncadd.s32 $0xFFFF0000  }
.Ltmp0:
0x5d: {  	_ =	swait.ge [sflag:s8], $0x10000;
	(pc) =	sbr.rel @!p0 .LBB2_2-.Ltmp0, $4  }
0x5e: {  	[sflag:s8] =	ssyncset.done $0x0  }
0x5f: {  	[sflag:s8] =	ssyncadd.s32 $0xFFFF0000  }
0x60: {  	_ =	swait.ge [sflag:s8], $0x10000  }
0x61: {  	s25 =	sadd.s32 $0xFFFFFFFF, s25;
	[sflag:s8] =	ssyncset.done $0x0  }
.LBB2_1:
0x62: {  	p0 =	sne.s32 s25, $0x1;
	s25 =	sadd.s32 $0xFFFFFFFF, s25;
	[sflag:s8] =	ssyncadd.s32 $0xFFFF0000  }
0x63: {  	[tilespmem:s2], [sflag:$0x1] =	stream.linear.gather [hbm4b:s3+s2], $0x10000, $0x38;
	[tilespmem:$0x10000] =	vst v63  }
0x64: {  	_ =	swait.ge [sflag:s4], $0x10000  }
0x65: {  	[sflag:s4] =	ssyncset.done $0x0  }
0x66: {  	[sflag:s4] =	ssyncadd.s32 $0xFFFF0000  }
0x67: {  	[hbm4b:s5+s2] =	stream.linear.scatter [tilespmem:s2], [sflag:$0x2], $0x10000, $0x38;
	[tilespmem:$0x10000] =	vst v63  }
0x68: {  	_ = 	snop  }
0x69: {  	[hbm4b:s6+s2] =	stream.linear.scatter [tilespmem:s2], [sflag:$0x2], $0x10000, $0x38;
	[tilespmem:$0x10000] =	vst v63  }
0x6a: {  	_ = 	snop  }
0x6b: {  	[hbm4b:s7+s2] =	stream.linear.scatter [tilespmem:s2], [sflag:$0x2], $0x10000, $0x38;
	[tilespmem:$0x10000] =	vst v63  }
0x6c: {  	_ = 	snop  }
0x6d: {  	[hbm4b:s9+s2] =	stream.linear.scatter [tilespmem:s2], [sflag:$0x2], $0x10000, $0x38;
	[tilespmem:$0x10000] =	vst v63  }
0x6e: {  	_ =	swait.ge [sflag:s8], $0x10000  }
0x6f: {  	[sflag:s8] =	ssyncset.done $0x0  }
0x70: {  	[sflag:s8] =	ssyncadd.s32 $0xFFFF0000  }
0x71: {  	_ =	swait.ge [sflag:s8], $0x10000  }
0x72: {  	[sflag:s8] =	ssyncset.done $0x0  }
0x73: {  	[sflag:s8] =	ssyncadd.s32 $0xFFFF0000  }
0x74: {  	_ =	swait.ge [sflag:s8], $0x10000  }
0x75: {  	[sflag:s8] =	ssyncset.done $0x0  }
0x76: {  	[sflag:s8] =	ssyncadd.s32 $0xFFFF0000  }
0x77: {  	_ =	swait.ge [sflag:s8], $0x10000  }
0x78: {  	[sflag:s8] =	ssyncset.done $0x0  }
0x79: {  	[sflag:s8] =	ssyncadd.s32 $0xFFFF0000  }
0x7a: {  	[tilespmem:s2], [sflag:$0x1] =	stream.linear.gather [hbm4b:s10+s2], $0x10000, $0x38;
	[tilespmem:$0x10000] =	vst v63  }
0x7b: {  	_ =	swait.ge [sflag:s4], $0x10000  }
0x7c: {  	[sflag:s4] =	ssyncset.done $0x0  }
0x7d: {  	[sflag:s4] =	ssyncadd.s32 $0xFFFF0000  }
0x7e: {  	[hbm4b:s11+s2] =	stream.linear.scatter [tilespmem:s2], [sflag:$0x2], $0x10000, $0x38;
	[tilespmem:$0x10000] =	vst v63  }
0x7f: {  	_ = 	snop  }
0x80: {  	[hbm4b:s12+s2] =	stream.linear.scatter [tilespmem:s2], [sflag:$0x2], $0x10000, $0x38;
	[tilespmem:$0x10000] =	vst v63  }
0x81: {  	_ = 	snop  }
0x82: {  	[hbm4b:s13+s2] =	stream.linear.scatter [tilespmem:s2], [sflag:$0x2], $0x10000, $0x38;
	[tilespmem:$0x10000] =	vst v63  }
0x83: {  	_ = 	snop  }
0x84: {  	[hbm4b:s14+s2] =	stream.linear.scatter [tilespmem:s2], [sflag:$0x2], $0x10000, $0x38;
	[tilespmem:$0x10000] =	vst v63  }
0x85: {  	_ =	swait.ge [sflag:s8], $0x10000  }
0x86: {  	[sflag:s8] =	ssyncset.done $0x0  }
0x87: {  	[sflag:s8] =	ssyncadd.s32 $0xFFFF0000  }
0x88: {  	_ =	swait.ge [sflag:s8], $0x10000  }
0x89: {  	[sflag:s8] =	ssyncset.done $0x0  }
0x8a: {  	[sflag:s8] =	ssyncadd.s32 $0xFFFF0000  }
0x8b: {  	_ =	swait.ge [sflag:s8], $0x10000  }
0x8c: {  	[sflag:s8] =	ssyncset.done $0x0  }
0x8d: {  	[sflag:s8] =	ssyncadd.s32 $0xFFFF0000  }
0x8e: {  	_ =	swait.ge [sflag:s8], $0x10000  }
0x8f: {  	[sflag:s8] =	ssyncset.done $0x0  }
0x90: {  	[sflag:s8] =	ssyncadd.s32 $0xFFFF0000  }
0x91: {  	[tilespmem:s2], [sflag:$0x1] =	stream.linear.gather [hbm4b:s15+s2], $0x10000, $0x38;
	[tilespmem:$0x10000] =	vst v63  }
0x92: {  	_ =	swait.ge [sflag:s4], $0x10000  }
0x93: {  	[sflag:s4] =	ssyncset.done $0x0  }
0x94: {  	[sflag:s4] =	ssyncadd.s32 $0xFFFF0000  }
0x95: {  	[hbm4b:s16+s2] =	stream.linear.scatter [tilespmem:s2], [sflag:$0x2], $0x10000, $0x38;
	[tilespmem:$0x10000] =	vst v63  }
0x96: {  	_ = 	snop  }
0x97: {  	[hbm4b:s17+s2] =	stream.linear.scatter [tilespmem:s2], [sflag:$0x2], $0x10000, $0x38;
	[tilespmem:$0x10000] =	vst v63  }
0x98: {  	_ = 	snop  }
0x99: {  	[hbm4b:s18+s2] =	stream.linear.scatter [tilespmem:s2], [sflag:$0x2], $0x10000, $0x38;
	[tilespmem:$0x10000] =	vst v63  }
0x9a: {  	_ = 	snop  }
0x9b: {  	[hbm4b:s19+s2] =	stream.linear.scatter [tilespmem:s2], [sflag:$0x2], $0x10000, $0x38;
	[tilespmem:$0x10000] =	vst v63  }
0x9c: {  	_ =	swait.ge [sflag:s8], $0x10000  }
0x9d: {  	[sflag:s8] =	ssyncset.done $0x0  }
0x9e: {  	[sflag:s8] =	ssyncadd.s32 $0xFFFF0000  }
0x9f: {  	_ =	swait.ge [sflag:s8], $0x10000  }
0xa0: {  	[sflag:s8] =	ssyncset.done $0x0  }
0xa1: {  	[sflag:s8] =	ssyncadd.s32 $0xFFFF0000  }
0xa2: {  	_ =	swait.ge [sflag:s8], $0x10000  }
0xa3: {  	[sflag:s8] =	ssyncset.done $0x0  }
0xa4: {  	[sflag:s8] =	ssyncadd.s32 $0xFFFF0000  }
0xa5: {  	_ =	swait.ge [sflag:s8], $0x10000  }
0xa6: {  	[sflag:s8] =	ssyncset.done $0x0  }
0xa7: {  	[sflag:s8] =	ssyncadd.s32 $0xFFFF0000  }
0xa8: {  	[tilespmem:s2], [sflag:$0x1] =	stream.linear.gather [hbm4b:s20+s2], $0x10000, $0x38;
	[tilespmem:$0x10000] =	vst v63  }
0xa9: {  	_ =	swait.ge [sflag:s4], $0x10000  }
0xaa: {  	[sflag:s4] =	ssyncset.done $0x0  }
0xab: {  	[sflag:s4] =	ssyncadd.s32 $0xFFFF0000  }
0xac: {  	[hbm4b:s21+s2] =	stream.linear.scatter [tilespmem:s2], [sflag:$0x2], $0x10000, $0x38;
	[tilespmem:$0x10000] =	vst v63  }
0xad: {  	_ = 	snop  }
0xae: {  	[hbm4b:s22+s2] =	stream.linear.scatter [tilespmem:s2], [sflag:$0x2], $0x10000, $0x38;
	[tilespmem:$0x10000] =	vst v63  }
0xaf: {  	_ = 	snop  }
0xb0: {  	[hbm4b:s23+s2] =	stream.linear.scatter [tilespmem:s2], [sflag:$0x2], $0x10000, $0x38;
	[tilespmem:$0x10000] =	vst v63  }
0xb1: {  	_ = 	snop  }
0xb2: {  	[hbm4b:s24+s2] =	stream.linear.scatter [tilespmem:s2], [sflag:$0x2], $0x10000, $0x38;
	[tilespmem:$0x10000] =	vst v63  }
0xb3: {  	_ =	swait.ge [sflag:s8], $0x10000  }
0xb4: {  	[sflag:s8] =	ssyncset.done $0x0  }
0xb5: {  	[sflag:s8] =	ssyncadd.s32 $0xFFFF0000  }
0xb6: {  	_ =	swait.ge [sflag:s8], $0x10000  }
0xb7: {  	[sflag:s8] =	ssyncset.done $0x0  }
0xb8: {  	[sflag:s8] =	ssyncadd.s32 $0xFFFF0000  }
.Ltmp1:
0xb9: {  	_ =	swait.ge [sflag:s8], $0x10000;
	(pc) =	sbr.rel @p0 .LBB2_1-.Ltmp1, $4  }
0xba: {  	[sflag:s8] =	ssyncset.done $0x0  }
0xbb: {  	[sflag:s8] =	ssyncadd.s32 $0xFFFF0000  }
0xbc: {  	_ =	swait.ge [sflag:s8], $0x10000  }
0xbd: {  	[sflag:s8] =	ssyncset.done $0x0  }
.LBB2_2:
0xbe: {  	[sflag:s8] =	ssyncadd.s32 $0xFFFF0000  }
0xbf: {  	_ =	sfence.sel $0x180000  }
0xc0: {  	[bflag:$0x0] =	sbarrier.arrive $0xFFFF  }
0xc1: {  	p0 =	sne.s32 s1, $0x0;
	_ =	strace $0x90000047  }
0xc2: {  	s0 =	sadd.s32 @!p0 $0x100000, s0;
	[bflag:$0x2] =	sbarrier.arrive $0xFFFF  }
0xc3: {  	[sflag:s0] =	ssyncadd.tile.s32 @!p0 $0x1;
	_ =	shalt  }
.Lfunc_end2:
_tile_overlayer_lowered:
.L_overlay_start_2:
0xc4: {  	(tag) =	ssettag $0x2  }
0xc5: {  	s0 =	rddreg [dreg:$0x0];
	s2 =	stileid.u32  }
0xc6: {  	s1 =	rddreg [dreg:$0x1];
	p0 =	sne.s32 s2, $0x0  }
0xc7: {  	s3 =	rddreg [dreg:$0x2];
	[bflag:$0x3] =	sbarrier.arrive $0xFFFF;
	s2 =	simm.s32 @!p0 $0x1C03  }
0xc8: {  	[timem:s3], [sflag:s2] =	dma.local @!p0 [hbm:s0], s1  }
0xc9: {  	s0 =	simm.s32 @!p0 $0x3  }
0xca: {  	_ =	swait.ge @!p0 [sflag:s0], s1  }
0xcb: {  	s1 =	ssub.s32 @!p0 $0x0, s1;
	[sflag:s0] =	ssyncset.done @!p0 $0x0  }
0xcc: {  	[sflag:s0] =	ssyncadd.s32 @!p0 s1  }
0xcd: {  	[bflag:$0x3] =	sbarrier.arrive $0xFFFF  }
0xce: {  	_ =	shalt  }

</sc_bundles>
